<compile_context>
chip_gen: v7x
topology: tpu7x:2x2x1
jax: 0.10.2.dev20260603
libtpu: 0.0.44.dev20260713+nightly
codegen_flags: <defaults>
</compile_context>

<pallas_src>
import jax
import jax.numpy as jnp
from jax import lax
from jax.experimental import pallas as pl
from jax.experimental.pallas import tpu as pltpu
from jax.experimental.pallas import tpu_sc as plsc

_NUM_CORES = 2
_NUM_SUBCORES = 16
_NUM_WORKERS = _NUM_CORES * _NUM_SUBCORES
_NBUF = 4
_CHUNK = 16


def _gather_body(table_hbm, idx_hbm, out_hbm, idx_v, rows, gsems, osems):
    wid = lax.axis_index("s") * _NUM_CORES + lax.axis_index("c")
    batch, seq = idx_hbm.shape
    b_per_w = (batch * seq) // _NUM_WORKERS
    w_per_b = seq // b_per_w
    bb = wid // w_per_b
    col = (wid % w_per_b) * b_per_w
    n_chunks = b_per_w // _CHUNK
    pltpu.sync_copy(idx_hbm.at[bb, pl.ds(col, b_per_w)], idx_v)

    def g_desc(c, b):
        return pltpu.make_async_copy(
            table_hbm.at[idx_v.at[pl.ds(c * _CHUNK, _CHUNK)]], rows[b], gsems[b]
        )

    def o_desc(c, b):
        return pltpu.make_async_copy(
            rows[b], out_hbm.at[bb, pl.ds(col + c * _CHUNK, _CHUNK)], osems[b]
        )

    g_desc(0, 0).start()
    g_desc(1, 1).start()

    def quad(i, carry):
        for b in range(_NBUF):
            c = _NBUF * i + b
            g_desc(c, b).wait()
            o_desc(c, b).start()
            nb = (b + 2) % _NBUF

            @pl.when(c + 2 < n_chunks)
            def _():
                @pl.when(c >= 2)
                def _():
                    o_desc(c - 2, nb).wait()

                g_desc(c + 2, nb).start()

        return carry

    lax.fori_loop(0, n_chunks // _NBUF, quad, 0)

    for k in range(_NBUF):
        c = n_chunks - _NBUF + k
        o_desc(c, c % _NBUF).wait()


@jax.jit
def _gather_call(table, idx):
    batch, seq = idx.shape
    mesh = plsc.VectorSubcoreMesh(core_axis_name="c", subcore_axis_name="s")
    return pl.kernel(
        _gather_body,
        out_type=jax.ShapeDtypeStruct((batch, seq, table.shape[1]), jnp.float32),
        mesh=mesh,
        scratch_types=[
            pltpu.VMEM(((batch * seq) // _NUM_WORKERS,), jnp.int32),
            [pltpu.VMEM((_CHUNK, table.shape[1]), jnp.float32) for _ in range(_NBUF)],
            [pltpu.SemaphoreType.DMA for _ in range(_NBUF)],
            [pltpu.SemaphoreType.DMA for _ in range(_NBUF)],
        ],
    )(table, idx)


def kernel(position_ids, pos_enc):
    return _gather_call(pos_enc, position_ids.astype(jnp.int32))

# --- scband reference (transcript-rebuilt; emitter-appended) ---
"""Pipeline reference for scband-fixed-positional-encoding-5626407158038 (READ-ONLY COPY).

The authoritative reference and input builder live on the scoring server;
editing this copy changes nothing except your own understanding.
"""

import math
import jax, jax.numpy as jnp
import numpy as np

HIDDEN_SIZE = 1024
MAX_SEQ_LEN = 8192
BATCH = 4
SEQ_LEN = 8192


def _build_pos_enc():
    position = np.arange(0.0, MAX_SEQ_LEN, dtype=np.float32)[:, None]
    coef = -math.log(10000.0) / HIDDEN_SIZE
    div_term = np.exp(coef * np.arange(0.0, HIDDEN_SIZE, 2, dtype=np.float32))
    pos_enc = np.zeros((MAX_SEQ_LEN, HIDDEN_SIZE), dtype=np.float32)
    pos_enc[:, 0::2] = np.sin(position * div_term)
    pos_enc[:, 1::2] = np.cos(position * div_term)
    pos_enc /= math.sqrt(HIDDEN_SIZE)
    return jnp.asarray(pos_enc)


def setup_inputs(seed: int = 0) -> dict:
    key = jax.random.key(seed)
    position_ids = jax.random.randint(key, (BATCH, SEQ_LEN), 0, MAX_SEQ_LEN, dtype=jnp.int64 if jax.config.jax_enable_x64 else jnp.int32)
    pos_enc = _build_pos_enc()
    return {"position_ids": position_ids, "pos_enc": pos_enc}


def reference(position_ids, pos_enc):
    # torch.embedding(weight, indices) == weight[indices]
    return jnp.take(pos_enc, position_ids, axis=0)

if __name__ == "__main__":
    import jax
    _d = setup_inputs()
    print(jax.jit(kernel)(*tuple(_d.values())))

</pallas_src>

<mosaic_0001>
#map = affine_map<(d0, d1) -> (0, 0)>
#map1 = affine_map<(d0, d1) -> (0, 0, 0)>
module attributes {stable_mosaic.version = 14 : i64} {
  func.func @_gather_body(%arg0: i32, %arg1: i32, %arg2: memref<8192x1024xf32, #tpu.memory_space<hbm>>, %arg3: memref<4x8192xi32, #tpu.memory_space<hbm>>, %arg4: memref<4x8192x1024xf32, #tpu.memory_space<hbm>>, %arg5: memref<1024xi32, #tpu.memory_space<vmem>>, %arg6: memref<16x1024xf32, #tpu.memory_space<vmem>>, %arg7: memref<16x1024xf32, #tpu.memory_space<vmem>>, %arg8: memref<16x1024xf32, #tpu.memory_space<vmem>>, %arg9: memref<16x1024xf32, #tpu.memory_space<vmem>>, %arg10: memref<!tpu.dma_semaphore, #tpu.memory_space<semaphore_mem>>, %arg11: memref<!tpu.dma_semaphore, #tpu.memory_space<semaphore_mem>>, %arg12: memref<!tpu.dma_semaphore, #tpu.memory_space<semaphore_mem>>, %arg13: memref<!tpu.dma_semaphore, #tpu.memory_space<semaphore_mem>>, %arg14: memref<!tpu.dma_semaphore, #tpu.memory_space<semaphore_mem>>, %arg15: memref<!tpu.dma_semaphore, #tpu.memory_space<semaphore_mem>>, %arg16: memref<!tpu.dma_semaphore, #tpu.memory_space<semaphore_mem>>, %arg17: memref<!tpu.dma_semaphore, #tpu.memory_space<semaphore_mem>>) attributes {dimension_semantics = [#tpu.dimension_semantics<core_parallel>, #tpu.dimension_semantics<subcore_parallel>], iteration_bounds = array<i64: 2, 16>, scalar_prefetch = 0 : i64, scratch_operands = 13 : i64, tpu.core_type = #tpu.core_type<sc_vector_subcore>, window_params = [{transform_indices = #map}, {transform_indices = #map}, {transform_indices = #map1}]} {
    %mul3A = arith.constant 2 : i32
    %mul3A_0 = arith.muli %arg1, %mul3A : i32
    %add3A = arith.addi %mul3A_0, %arg0 : i32
    %jit3A = arith.constant 8 : i32
    %div3A = arith.divsi %add3A, %jit3A : i32
    %sign3A = arith.constant 0 : i32
    %sign3A_1 = arith.cmpi sgt, %add3A, %sign3A : i32
    %sign3A_2 = arith.extui %sign3A_1 : i1 to i32
    %sign3A_3 = arith.constant 0 : i32
    %sign3A_4 = arith.cmpi slt, %add3A, %sign3A_3 : i32
    %sign3A_5 = arith.extui %sign3A_4 : i1 to i32
    %sign3A_6 = arith.subi %sign3A_2, %sign3A_5 : i32
    %sign3A_7 = arith.constant 0 : i32
    %sign3A_8 = arith.cmpi sgt, %jit3A, %sign3A_7 : i32
    %sign3A_9 = arith.extui %sign3A_8 : i1 to i32
    %sign3A_10 = arith.constant 0 : i32
    %sign3A_11 = arith.cmpi slt, %jit3A, %sign3A_10 : i32
    %sign3A_12 = arith.extui %sign3A_11 : i1 to i32
    %sign3A_13 = arith.subi %sign3A_9, %sign3A_12 : i32
    %ne3A = arith.cmpi ne, %sign3A_6, %sign3A_13 : i32
    %rem3A = arith.remsi %add3A, %jit3A : i32
    %ne3A_14 = arith.constant 0 : i32
    %ne3A_15 = arith.cmpi ne, %rem3A, %ne3A_14 : i32
    %and3A = arith.andi %ne3A, %ne3A_15 : i1
    %sub3A = arith.constant 1 : i32
    %sub3A_16 = arith.subi %div3A, %sub3A : i32
    %select_n3A = arith.select %and3A, %sub3A_16, %div3A : i32
    %jit3A_17 = arith.constant 8 : i32
    %eq3A = arith.constant 0 : i32
    %eq3A_18 = arith.cmpi eq, %jit3A_17, %eq3A : i32
    %jit3A_19 = arith.constant 1 : i32
    %select_n3A_20 = arith.select %eq3A_18, %jit3A_19, %jit3A_17 : i32
    %rem3A_21 = arith.remsi %add3A, %select_n3A_20 : i32
    %ne3A_22 = arith.constant 0 : i32
    %ne3A_23 = arith.cmpi ne, %rem3A_21, %ne3A_22 : i32
    %lt3A = arith.constant 0 : i32
    %lt3A_24 = arith.cmpi slt, %rem3A_21, %lt3A : i32
    %lt3A_25 = arith.constant 0 : i32
    %lt3A_26 = arith.cmpi slt, %select_n3A_20, %lt3A_25 : i32
    %ne3A_27 = arith.xori %lt3A_24, %lt3A_26 : i1
    %and3A_28 = arith.andi %ne3A_27, %ne3A_23 : i1
    %add3A_29 = arith.addi %rem3A_21, %select_n3A_20 : i32
    %select_n3A_30 = arith.select %and3A_28, %add3A_29, %rem3A_21 : i32
    %mul3A_31 = arith.constant 1024 : i32
    %mul3A_32 = arith.muli %select_n3A_30, %mul3A_31 : i32
    "tpu.region"() ({
      %run_scoped3A = tpu.sem_alloc : memref<!tpu.dma_semaphore, #tpu.memory_space<semaphore_mem>>
      %dma_start3A_78 = tpu.memref_slice %arg3[%select_n3A, %mul3A_32] : memref<4x8192xi32, #tpu.memory_space<hbm>> -> memref<1x1024xi32, #tpu.memory_space<hbm>>
      %dma_start3A_79 = tpu.memref_squeeze %dma_start3A_78 : memref<1x1024xi32, #tpu.memory_space<hbm>> -> memref<1024xi32, #tpu.memory_space<hbm>>
      %dma_start3A_80 = tpu.memref_slice %arg3[%select_n3A, %mul3A_32] : memref<4x8192xi32, #tpu.memory_space<hbm>> -> memref<1x1024xi32, #tpu.memory_space<hbm>>
      %dma_start3A_81 = tpu.memref_squeeze %dma_start3A_80 : memref<1x1024xi32, #tpu.memory_space<hbm>> -> memref<1024xi32, #tpu.memory_space<hbm>>
      tpu.enqueue_dma source(%dma_start3A_81 : memref<1024xi32, #tpu.memory_space<hbm>>) target(%arg5 : memref<1024xi32, #tpu.memory_space<vmem>>) target_semaphore(%run_scoped3A : memref<!tpu.dma_semaphore, #tpu.memory_space<semaphore_mem>>)
      %dma_wait3A_82 = tpu.memref_slice %arg3[%select_n3A, %mul3A_32] : memref<4x8192xi32, #tpu.memory_space<hbm>> -> memref<1x1024xi32, #tpu.memory_space<hbm>>
      %dma_wait3A_83 = tpu.memref_squeeze %dma_wait3A_82 : memref<1x1024xi32, #tpu.memory_space<hbm>> -> memref<1024xi32, #tpu.memory_space<hbm>>
      %dma_wait3A_84 = tpu.memref_slice %arg3[%select_n3A, %mul3A_32] : memref<4x8192xi32, #tpu.memory_space<hbm>> -> memref<1x1024xi32, #tpu.memory_space<hbm>>
      %dma_wait3A_85 = tpu.memref_squeeze %dma_wait3A_84 : memref<1x1024xi32, #tpu.memory_space<hbm>> -> memref<1024xi32, #tpu.memory_space<hbm>>
      tpu.wait_dma2 semaphore(%run_scoped3A : memref<!tpu.dma_semaphore, #tpu.memory_space<semaphore_mem>>) src(%dma_wait3A_85 : memref<1024xi32, #tpu.memory_space<hbm>>) dst(%arg5 : memref<1024xi32, #tpu.memory_space<vmem>>)
      tpu.yield
    }) : () -> ()
    %dma_start3A = arith.constant 0 : i32
    %dma_start3A_33 = tpu.memref_slice %arg5[%dma_start3A] : memref<1024xi32, #tpu.memory_space<vmem>> -> memref<16xi32, #tpu.memory_space<vmem>>
    %dma_start3A_34 = arith.constant 0 : i32
    %dma_start3A_35 = arith.constant 0 : i32
    %dma_start3A_36 = tpu.memref_slice %arg2[%dma_start3A_34, %dma_start3A_35] : memref<8192x1024xf32, #tpu.memory_space<hbm>> -> memref<8192x1024xf32, #tpu.memory_space<hbm>>
    tpu.enqueue_indirect_dma source(%dma_start3A_36 : memref<8192x1024xf32, #tpu.memory_space<hbm>>) target(%arg6 : memref<16x1024xf32, #tpu.memory_space<vmem>>) offsets(%dma_start3A_33 : memref<16xi32, #tpu.memory_space<vmem>>) semaphore(%arg10 : memref<!tpu.dma_semaphore, #tpu.memory_space<semaphore_mem>>)
    %dma_start3A_37 = arith.constant 16 : i32
    %dma_start3A_38 = tpu.memref_slice %arg5[%dma_start3A_37] : memref<1024xi32, #tpu.memory_space<vmem>> -> memref<16xi32, #tpu.memory_space<vmem>>
    %dma_start3A_39 = arith.constant 0 : i32
    %dma_start3A_40 = arith.constant 0 : i32
    %dma_start3A_41 = tpu.memref_slice %arg2[%dma_start3A_39, %dma_start3A_40] : memref<8192x1024xf32, #tpu.memory_space<hbm>> -> memref<8192x1024xf32, #tpu.memory_space<hbm>>
    tpu.enqueue_indirect_dma source(%dma_start3A_41 : memref<8192x1024xf32, #tpu.memory_space<hbm>>) target(%arg7 : memref<16x1024xf32, #tpu.memory_space<vmem>>) offsets(%dma_start3A_38 : memref<16xi32, #tpu.memory_space<vmem>>) semaphore(%arg11 : memref<!tpu.dma_semaphore, #tpu.memory_space<semaphore_mem>>)
    %scan3A = arith.constant 0 : i32
    %scan3A_42 = arith.constant 0 : i32
    %scan3A_43 = arith.constant 16 : i32
    %scan3A_44 = arith.addi %scan3A_42, %scan3A_43 : i32
    %scan3A_45 = arith.constant 1 : i32
    scf.for %scan3A_78 = %scan3A_42 to %scan3A_44 step %scan3A_45  : i32 {
      %mul3A_79 = arith.constant 4 : i32
      %mul3A_80 = arith.muli %mul3A_79, %scan3A_78 : i32
      %add3A_81 = arith.constant 0 : i32
      %add3A_82 = arith.addi %mul3A_80, %add3A_81 : i32
      %mul3A_83 = arith.constant 16 : i32
      %mul3A_84 = arith.muli %add3A_82, %mul3A_83 : i32
      %dma_wait3A_85 = tpu.memref_slice %arg5[%mul3A_84] : memref<1024xi32, #tpu.memory_space<vmem>> -> memref<16xi32, #tpu.memory_space<vmem>>
      %dma_wait3A_86 = arith.constant 0 : i32
      %dma_wait3A_87 = arith.constant 0 : i32
      %dma_wait3A_88 = tpu.memref_slice %arg2[%dma_wait3A_86, %dma_wait3A_87] : memref<8192x1024xf32, #tpu.memory_space<hbm>> -> memref<8192x1024xf32, #tpu.memory_space<hbm>>
      tpu.wait_indirect_dma semaphore(%arg10 : memref<!tpu.dma_semaphore, #tpu.memory_space<semaphore_mem>>) src(%dma_wait3A_88 : memref<8192x1024xf32, #tpu.memory_space<hbm>>) dst(%arg6 : memref<16x1024xf32, #tpu.memory_space<vmem>>)
      %mul3A_89 = arith.constant 16 : i32
      %mul3A_90 = arith.muli %add3A_82, %mul3A_89 : i32
      %add3A_91 = arith.addi %mul3A_32, %mul3A_90 : i32
      %dma_start3A_92 = arith.constant 0 : i32
      %dma_start3A_93 = tpu.memref_slice %arg4[%select_n3A, %add3A_91, %dma_start3A_92] : memref<4x8192x1024xf32, #tpu.memory_space<hbm>> -> memref<1x16x1024xf32, #tpu.memory_space<hbm>>
      %dma_start3A_94 = tpu.memref_squeeze %dma_start3A_93 : memref<1x16x1024xf32, #tpu.memory_space<hbm>> -> memref<16x1024xf32, #tpu.memory_space<hbm>>
      %dma_start3A_95 = arith.constant 0 : i32
      %dma_start3A_96 = tpu.memref_slice %arg4[%select_n3A, %add3A_91, %dma_start3A_95] : memref<4x8192x1024xf32, #tpu.memory_space<hbm>> -> memref<1x16x1024xf32, #tpu.memory_space<hbm>>
      %dma_start3A_97 = tpu.memref_squeeze %dma_start3A_96 : memref<1x16x1024xf32, #tpu.memory_space<hbm>> -> memref<16x1024xf32, #tpu.memory_space<hbm>>
      tpu.enqueue_dma source(%arg6 : memref<16x1024xf32, #tpu.memory_space<vmem>>) target(%dma_start3A_97 : memref<16x1024xf32, #tpu.memory_space<hbm>>) target_semaphore(%arg14 : memref<!tpu.dma_semaphore, #tpu.memory_space<semaphore_mem>>)
      %add3A_98 = arith.constant 2 : i32
      %add3A_99 = arith.addi %add3A_82, %add3A_98 : i32
      %lt3A_100 = arith.constant 64 : i32
      %lt3A_101 = arith.cmpi slt, %add3A_99, %lt3A_100 : i32
      %convert_element_type3A = arith.extui %lt3A_101 : i1 to i32
      %cond3A = arith.constant 0 : i32
      %cond3A_102 = arith.cmpi ne, %convert_element_type3A, %cond3A : i32
      scf.if %cond3A_102 {
        %ge3A = arith.constant 2 : i32
        %ge3A_181 = arith.cmpi sge, %add3A_82, %ge3A : i32
        %convert_element_type3A_182 = arith.extui %ge3A_181 : i1 to i32
        %cond3A_183 = arith.constant 0 : i32
        %cond3A_184 = arith.cmpi ne, %convert_element_type3A_182, %cond3A_183 : i32
        scf.if %cond3A_184 {
          %sub3A_193 = arith.constant 2 : i32
          %sub3A_194 = arith.subi %add3A_82, %sub3A_193 : i32
          %mul3A_195 = arith.constant 16 : i32
          %mul3A_196 = arith.muli %sub3A_194, %mul3A_195 : i32
          %add3A_197 = arith.addi %mul3A_32, %mul3A_196 : i32
          %dma_wait3A_198 = arith.constant 0 : i32
          %dma_wait3A_199 = tpu.memref_slice %arg4[%select_n3A, %add3A_197, %dma_wait3A_198] : memref<4x8192x1024xf32, #tpu.memory_space<hbm>> -> memref<1x16x1024xf32, #tpu.memory_space<hbm>>
          %dma_wait3A_200 = tpu.memref_squeeze %dma_wait3A_199 : memref<1x16x1024xf32, #tpu.memory_space<hbm>> -> memref<16x1024xf32, #tpu.memory_space<hbm>>
          %dma_wait3A_201 = arith.constant 0 : i32
          %dma_wait3A_202 = tpu.memref_slice %arg4[%select_n3A, %add3A_197, %dma_wait3A_201] : memref<4x8192x1024xf32, #tpu.memory_space<hbm>> -> memref<1x16x1024xf32, #tpu.memory_space<hbm>>
          %dma_wait3A_203 = tpu.memref_squeeze %dma_wait3A_202 : memref<1x16x1024xf32, #tpu.memory_space<hbm>> -> memref<16x1024xf32, #tpu.memory_space<hbm>>
          tpu.wait_dma2 semaphore(%arg16 : memref<!tpu.dma_semaphore, #tpu.memory_space<semaphore_mem>>) src(%arg8 : memref<16x1024xf32, #tpu.memory_space<vmem>>) dst(%dma_wait3A_203 : memref<16x1024xf32, #tpu.memory_space<hbm>>)
        } else {
        }
        %add3A_185 = arith.constant 2 : i32
        %add3A_186 = arith.addi %add3A_82, %add3A_185 : i32
        %mul3A_187 = arith.constant 16 : i32
        %mul3A_188 = arith.muli %add3A_186, %mul3A_187 : i32
        %dma_start3A_189 = tpu.memref_slice %arg5[%mul3A_188] : memref<1024xi32, #tpu.memory_space<vmem>> -> memref<16xi32, #tpu.memory_space<vmem>>
        %dma_start3A_190 = arith.constant 0 : i32
        %dma_start3A_191 = arith.constant 0 : i32
        %dma_start3A_192 = tpu.memref_slice %arg2[%dma_start3A_190, %dma_start3A_191] : memref<8192x1024xf32, #tpu.memory_space<hbm>> -> memref<8192x1024xf32, #tpu.memory_space<hbm>>
        tpu.enqueue_indirect_dma source(%dma_start3A_192 : memref<8192x1024xf32, #tpu.memory_space<hbm>>) target(%arg8 : memref<16x1024xf32, #tpu.memory_space<vmem>>) offsets(%dma_start3A_189 : memref<16xi32, #tpu.memory_space<vmem>>) semaphore(%arg12 : memref<!tpu.dma_semaphore, #tpu.memory_space<semaphore_mem>>)
      } else {
      }
      %mul3A_103 = arith.constant 4 : i32
      %mul3A_104 = arith.muli %mul3A_103, %scan3A_78 : i32
      %add3A_105 = arith.constant 1 : i32
      %add3A_106 = arith.addi %mul3A_104, %add3A_105 : i32
      %mul3A_107 = arith.constant 16 : i32
      %mul3A_108 = arith.muli %add3A_106, %mul3A_107 : i32
      %dma_wait3A_109 = tpu.memref_slice %arg5[%mul3A_108] : memref<1024xi32, #tpu.memory_space<vmem>> -> memref<16xi32, #tpu.memory_space<vmem>>
      %dma_wait3A_110 = arith.constant 0 : i32
      %dma_wait3A_111 = arith.constant 0 : i32
      %dma_wait3A_112 = tpu.memref_slice %arg2[%dma_wait3A_110, %dma_wait3A_111] : memref<8192x1024xf32, #tpu.memory_space<hbm>> -> memref<8192x1024xf32, #tpu.memory_space<hbm>>
      tpu.wait_indirect_dma semaphore(%arg11 : memref<!tpu.dma_semaphore, #tpu.memory_space<semaphore_mem>>) src(%dma_wait3A_112 : memref<8192x1024xf32, #tpu.memory_space<hbm>>) dst(%arg7 : memref<16x1024xf32, #tpu.memory_space<vmem>>)
      %mul3A_113 = arith.constant 16 : i32
      %mul3A_114 = arith.muli %add3A_106, %mul3A_113 : i32
      %add3A_115 = arith.addi %mul3A_32, %mul3A_114 : i32
      %dma_start3A_116 = arith.constant 0 : i32
      %dma_start3A_117 = tpu.memref_slice %arg4[%select_n3A, %add3A_115, %dma_start3A_116] : memref<4x8192x1024xf32, #tpu.memory_space<hbm>> -> memref<1x16x1024xf32, #tpu.memory_space<hbm>>
      %dma_start3A_118 = tpu.memref_squeeze %dma_start3A_117 : memref<1x16x1024xf32, #tpu.memory_space<hbm>> -> memref<16x1024xf32, #tpu.memory_space<hbm>>
      %dma_start3A_119 = arith.constant 0 : i32
      %dma_start3A_120 = tpu.memref_slice %arg4[%select_n3A, %add3A_115, %dma_start3A_119] : memref<4x8192x1024xf32, #tpu.memory_space<hbm>> -> memref<1x16x1024xf32, #tpu.memory_space<hbm>>
      %dma_start3A_121 = tpu.memref_squeeze %dma_start3A_120 : memref<1x16x1024xf32, #tpu.memory_space<hbm>> -> memref<16x1024xf32, #tpu.memory_space<hbm>>
      tpu.enqueue_dma source(%arg7 : memref<16x1024xf32, #tpu.memory_space<vmem>>) target(%dma_start3A_121 : memref<16x1024xf32, #tpu.memory_space<hbm>>) target_semaphore(%arg15 : memref<!tpu.dma_semaphore, #tpu.memory_space<semaphore_mem>>)
      %add3A_122 = arith.constant 2 : i32
      %add3A_123 = arith.addi %add3A_106, %add3A_122 : i32
      %lt3A_124 = arith.constant 64 : i32
      %lt3A_125 = arith.cmpi slt, %add3A_123, %lt3A_124 : i32
      %convert_element_type3A_126 = arith.extui %lt3A_125 : i1 to i32
      %cond3A_127 = arith.constant 0 : i32
      %cond3A_128 = arith.cmpi ne, %convert_element_type3A_126, %cond3A_127 : i32
      scf.if %cond3A_128 {
        %ge3A = arith.constant 2 : i32
        %ge3A_181 = arith.cmpi sge, %add3A_106, %ge3A : i32
        %convert_element_type3A_182 = arith.extui %ge3A_181 : i1 to i32
        %cond3A_183 = arith.constant 0 : i32
        %cond3A_184 = arith.cmpi ne, %convert_element_type3A_182, %cond3A_183 : i32
        scf.if %cond3A_184 {
          %sub3A_193 = arith.constant 2 : i32
          %sub3A_194 = arith.subi %add3A_106, %sub3A_193 : i32
          %mul3A_195 = arith.constant 16 : i32
          %mul3A_196 = arith.muli %sub3A_194, %mul3A_195 : i32
          %add3A_197 = arith.addi %mul3A_32, %mul3A_196 : i32
          %dma_wait3A_198 = arith.constant 0 : i32
          %dma_wait3A_199 = tpu.memref_slice %arg4[%select_n3A, %add3A_197, %dma_wait3A_198] : memref<4x8192x1024xf32, #tpu.memory_space<hbm>> -> memref<1x16x1024xf32, #tpu.memory_space<hbm>>
          %dma_wait3A_200 = tpu.memref_squeeze %dma_wait3A_199 : memref<1x16x1024xf32, #tpu.memory_space<hbm>> -> memref<16x1024xf32, #tpu.memory_space<hbm>>
          %dma_wait3A_201 = arith.constant 0 : i32
          %dma_wait3A_202 = tpu.memref_slice %arg4[%select_n3A, %add3A_197, %dma_wait3A_201] : memref<4x8192x1024xf32, #tpu.memory_space<hbm>> -> memref<1x16x1024xf32, #tpu.memory_space<hbm>>
          %dma_wait3A_203 = tpu.memref_squeeze %dma_wait3A_202 : memref<1x16x1024xf32, #tpu.memory_space<hbm>> -> memref<16x1024xf32, #tpu.memory_space<hbm>>
          tpu.wait_dma2 semaphore(%arg17 : memref<!tpu.dma_semaphore, #tpu.memory_space<semaphore_mem>>) src(%arg9 : memref<16x1024xf32, #tpu.memory_space<vmem>>) dst(%dma_wait3A_203 : memref<16x1024xf32, #tpu.memory_space<hbm>>)
        } else {
        }
        %add3A_185 = arith.constant 2 : i32
        %add3A_186 = arith.addi %add3A_106, %add3A_185 : i32
        %mul3A_187 = arith.constant 16 : i32
        %mul3A_188 = arith.muli %add3A_186, %mul3A_187 : i32
        %dma_start3A_189 = tpu.memref_slice %arg5[%mul3A_188] : memref<1024xi32, #tpu.memory_space<vmem>> -> memref<16xi32, #tpu.memory_space<vmem>>
        %dma_start3A_190 = arith.constant 0 : i32
        %dma_start3A_191 = arith.constant 0 : i32
        %dma_start3A_192 = tpu.memref_slice %arg2[%dma_start3A_190, %dma_start3A_191] : memref<8192x1024xf32, #tpu.memory_space<hbm>> -> memref<8192x1024xf32, #tpu.memory_space<hbm>>
        tpu.enqueue_indirect_dma source(%dma_start3A_192 : memref<8192x1024xf32, #tpu.memory_space<hbm>>) target(%arg9 : memref<16x1024xf32, #tpu.memory_space<vmem>>) offsets(%dma_start3A_189 : memref<16xi32, #tpu.memory_space<vmem>>) semaphore(%arg13 : memref<!tpu.dma_semaphore, #tpu.memory_space<semaphore_mem>>)
      } else {
      }
      %mul3A_129 = arith.constant 4 : i32
      %mul3A_130 = arith.muli %mul3A_129, %scan3A_78 : i32
      %add3A_131 = arith.constant 2 : i32
      %add3A_132 = arith.addi %mul3A_130, %add3A_131 : i32
      %mul3A_133 = arith.constant 16 : i32
      %mul3A_134 = arith.muli %add3A_132, %mul3A_133 : i32
      %dma_wait3A_135 = tpu.memref_slice %arg5[%mul3A_134] : memref<1024xi32, #tpu.memory_space<vmem>> -> memref<16xi32, #tpu.memory_space<vmem>>
      %dma_wait3A_136 = arith.constant 0 : i32
      %dma_wait3A_137 = arith.constant 0 : i32
      %dma_wait3A_138 = tpu.memref_slice %arg2[%dma_wait3A_136, %dma_wait3A_137] : memref<8192x1024xf32, #tpu.memory_space<hbm>> -> memref<8192x1024xf32, #tpu.memory_space<hbm>>
      tpu.wait_indirect_dma semaphore(%arg12 : memref<!tpu.dma_semaphore, #tpu.memory_space<semaphore_mem>>) src(%dma_wait3A_138 : memref<8192x1024xf32, #tpu.memory_space<hbm>>) dst(%arg8 : memref<16x1024xf32, #tpu.memory_space<vmem>>)
      %mul3A_139 = arith.constant 16 : i32
      %mul3A_140 = arith.muli %add3A_132, %mul3A_139 : i32
      %add3A_141 = arith.addi %mul3A_32, %mul3A_140 : i32
      %dma_start3A_142 = arith.constant 0 : i32
      %dma_start3A_143 = tpu.memref_slice %arg4[%select_n3A, %add3A_141, %dma_start3A_142] : memref<4x8192x1024xf32, #tpu.memory_space<hbm>> -> memref<1x16x1024xf32, #tpu.memory_space<hbm>>
      %dma_start3A_144 = tpu.memref_squeeze %dma_start3A_143 : memref<1x16x1024xf32, #tpu.memory_space<hbm>> -> memref<16x1024xf32, #tpu.memory_space<hbm>>
      %dma_start3A_145 = arith.constant 0 : i32
      %dma_start3A_146 = tpu.memref_slice %arg4[%select_n3A, %add3A_141, %dma_start3A_145] : memref<4x8192x1024xf32, #tpu.memory_space<hbm>> -> memref<1x16x1024xf32, #tpu.memory_space<hbm>>
      %dma_start3A_147 = tpu.memref_squeeze %dma_start3A_146 : memref<1x16x1024xf32, #tpu.memory_space<hbm>> -> memref<16x1024xf32, #tpu.memory_space<hbm>>
      tpu.enqueue_dma source(%arg8 : memref<16x1024xf32, #tpu.memory_space<vmem>>) target(%dma_start3A_147 : memref<16x1024xf32, #tpu.memory_space<hbm>>) target_semaphore(%arg16 : memref<!tpu.dma_semaphore, #tpu.memory_space<semaphore_mem>>)
      %add3A_148 = arith.constant 2 : i32
      %add3A_149 = arith.addi %add3A_132, %add3A_148 : i32
      %lt3A_150 = arith.constant 64 : i32
      %lt3A_151 = arith.cmpi slt, %add3A_149, %lt3A_150 : i32
      %convert_element_type3A_152 = arith.extui %lt3A_151 : i1 to i32
      %cond3A_153 = arith.constant 0 : i32
      %cond3A_154 = arith.cmpi ne, %convert_element_type3A_152, %cond3A_153 : i32
      scf.if %cond3A_154 {
        %ge3A = arith.constant 2 : i32
        %ge3A_181 = arith.cmpi sge, %add3A_132, %ge3A : i32
        %convert_element_type3A_182 = arith.extui %ge3A_181 : i1 to i32
        %cond3A_183 = arith.constant 0 : i32
        %cond3A_184 = arith.cmpi ne, %convert_element_type3A_182, %cond3A_183 : i32
        scf.if %cond3A_184 {
          %sub3A_193 = arith.constant 2 : i32
          %sub3A_194 = arith.subi %add3A_132, %sub3A_193 : i32
          %mul3A_195 = arith.constant 16 : i32
          %mul3A_196 = arith.muli %sub3A_194, %mul3A_195 : i32
          %add3A_197 = arith.addi %mul3A_32, %mul3A_196 : i32
          %dma_wait3A_198 = arith.constant 0 : i32
          %dma_wait3A_199 = tpu.memref_slice %arg4[%select_n3A, %add3A_197, %dma_wait3A_198] : memref<4x8192x1024xf32, #tpu.memory_space<hbm>> -> memref<1x16x1024xf32, #tpu.memory_space<hbm>>
          %dma_wait3A_200 = tpu.memref_squeeze %dma_wait3A_199 : memref<1x16x1024xf32, #tpu.memory_space<hbm>> -> memref<16x1024xf32, #tpu.memory_space<hbm>>
          %dma_wait3A_201 = arith.constant 0 : i32
          %dma_wait3A_202 = tpu.memref_slice %arg4[%select_n3A, %add3A_197, %dma_wait3A_201] : memref<4x8192x1024xf32, #tpu.memory_space<hbm>> -> memref<1x16x1024xf32, #tpu.memory_space<hbm>>
          %dma_wait3A_203 = tpu.memref_squeeze %dma_wait3A_202 : memref<1x16x1024xf32, #tpu.memory_space<hbm>> -> memref<16x1024xf32, #tpu.memory_space<hbm>>
          tpu.wait_dma2 semaphore(%arg14 : memref<!tpu.dma_semaphore, #tpu.memory_space<semaphore_mem>>) src(%arg6 : memref<16x1024xf32, #tpu.memory_space<vmem>>) dst(%dma_wait3A_203 : memref<16x1024xf32, #tpu.memory_space<hbm>>)
        } else {
        }
        %add3A_185 = arith.constant 2 : i32
        %add3A_186 = arith.addi %add3A_132, %add3A_185 : i32
        %mul3A_187 = arith.constant 16 : i32
        %mul3A_188 = arith.muli %add3A_186, %mul3A_187 : i32
        %dma_start3A_189 = tpu.memref_slice %arg5[%mul3A_188] : memref<1024xi32, #tpu.memory_space<vmem>> -> memref<16xi32, #tpu.memory_space<vmem>>
        %dma_start3A_190 = arith.constant 0 : i32
        %dma_start3A_191 = arith.constant 0 : i32
        %dma_start3A_192 = tpu.memref_slice %arg2[%dma_start3A_190, %dma_start3A_191] : memref<8192x1024xf32, #tpu.memory_space<hbm>> -> memref<8192x1024xf32, #tpu.memory_space<hbm>>
        tpu.enqueue_indirect_dma source(%dma_start3A_192 : memref<8192x1024xf32, #tpu.memory_space<hbm>>) target(%arg6 : memref<16x1024xf32, #tpu.memory_space<vmem>>) offsets(%dma_start3A_189 : memref<16xi32, #tpu.memory_space<vmem>>) semaphore(%arg10 : memref<!tpu.dma_semaphore, #tpu.memory_space<semaphore_mem>>)
      } else {
      }
      %mul3A_155 = arith.constant 4 : i32
      %mul3A_156 = arith.muli %mul3A_155, %scan3A_78 : i32
      %add3A_157 = arith.constant 3 : i32
      %add3A_158 = arith.addi %mul3A_156, %add3A_157 : i32
      %mul3A_159 = arith.constant 16 : i32
      %mul3A_160 = arith.muli %add3A_158, %mul3A_159 : i32
      %dma_wait3A_161 = tpu.memref_slice %arg5[%mul3A_160] : memref<1024xi32, #tpu.memory_space<vmem>> -> memref<16xi32, #tpu.memory_space<vmem>>
      %dma_wait3A_162 = arith.constant 0 : i32
      %dma_wait3A_163 = arith.constant 0 : i32
      %dma_wait3A_164 = tpu.memref_slice %arg2[%dma_wait3A_162, %dma_wait3A_163] : memref<8192x1024xf32, #tpu.memory_space<hbm>> -> memref<8192x1024xf32, #tpu.memory_space<hbm>>
      tpu.wait_indirect_dma semaphore(%arg13 : memref<!tpu.dma_semaphore, #tpu.memory_space<semaphore_mem>>) src(%dma_wait3A_164 : memref<8192x1024xf32, #tpu.memory_space<hbm>>) dst(%arg9 : memref<16x1024xf32, #tpu.memory_space<vmem>>)
      %mul3A_165 = arith.constant 16 : i32
      %mul3A_166 = arith.muli %add3A_158, %mul3A_165 : i32
      %add3A_167 = arith.addi %mul3A_32, %mul3A_166 : i32
      %dma_start3A_168 = arith.constant 0 : i32
      %dma_start3A_169 = tpu.memref_slice %arg4[%select_n3A, %add3A_167, %dma_start3A_168] : memref<4x8192x1024xf32, #tpu.memory_space<hbm>> -> memref<1x16x1024xf32, #tpu.memory_space<hbm>>
      %dma_start3A_170 = tpu.memref_squeeze %dma_start3A_169 : memref<1x16x1024xf32, #tpu.memory_space<hbm>> -> memref<16x1024xf32, #tpu.memory_space<hbm>>
      %dma_start3A_171 = arith.constant 0 : i32
      %dma_start3A_172 = tpu.memref_slice %arg4[%select_n3A, %add3A_167, %dma_start3A_171] : memref<4x8192x1024xf32, #tpu.memory_space<hbm>> -> memref<1x16x1024xf32, #tpu.memory_space<hbm>>
      %dma_start3A_173 = tpu.memref_squeeze %dma_start3A_172 : memref<1x16x1024xf32, #tpu.memory_space<hbm>> -> memref<16x1024xf32, #tpu.memory_space<hbm>>
      tpu.enqueue_dma source(%arg9 : memref<16x1024xf32, #tpu.memory_space<vmem>>) target(%dma_start3A_173 : memref<16x1024xf32, #tpu.memory_space<hbm>>) target_semaphore(%arg17 : memref<!tpu.dma_semaphore, #tpu.memory_space<semaphore_mem>>)
      %add3A_174 = arith.constant 2 : i32
      %add3A_175 = arith.addi %add3A_158, %add3A_174 : i32
      %lt3A_176 = arith.constant 64 : i32
      %lt3A_177 = arith.cmpi slt, %add3A_175, %lt3A_176 : i32
      %convert_element_type3A_178 = arith.extui %lt3A_177 : i1 to i32
      %cond3A_179 = arith.constant 0 : i32
      %cond3A_180 = arith.cmpi ne, %convert_element_type3A_178, %cond3A_179 : i32
      scf.if %cond3A_180 {
        %ge3A = arith.constant 2 : i32
        %ge3A_181 = arith.cmpi sge, %add3A_158, %ge3A : i32
        %convert_element_type3A_182 = arith.extui %ge3A_181 : i1 to i32
        %cond3A_183 = arith.constant 0 : i32
        %cond3A_184 = arith.cmpi ne, %convert_element_type3A_182, %cond3A_183 : i32
        scf.if %cond3A_184 {
          %sub3A_193 = arith.constant 2 : i32
          %sub3A_194 = arith.subi %add3A_158, %sub3A_193 : i32
          %mul3A_195 = arith.constant 16 : i32
          %mul3A_196 = arith.muli %sub3A_194, %mul3A_195 : i32
          %add3A_197 = arith.addi %mul3A_32, %mul3A_196 : i32
          %dma_wait3A_198 = arith.constant 0 : i32
          %dma_wait3A_199 = tpu.memref_slice %arg4[%select_n3A, %add3A_197, %dma_wait3A_198] : memref<4x8192x1024xf32, #tpu.memory_space<hbm>> -> memref<1x16x1024xf32, #tpu.memory_space<hbm>>
          %dma_wait3A_200 = tpu.memref_squeeze %dma_wait3A_199 : memref<1x16x1024xf32, #tpu.memory_space<hbm>> -> memref<16x1024xf32, #tpu.memory_space<hbm>>
          %dma_wait3A_201 = arith.constant 0 : i32
          %dma_wait3A_202 = tpu.memref_slice %arg4[%select_n3A, %add3A_197, %dma_wait3A_201] : memref<4x8192x1024xf32, #tpu.memory_space<hbm>> -> memref<1x16x1024xf32, #tpu.memory_space<hbm>>
          %dma_wait3A_203 = tpu.memref_squeeze %dma_wait3A_202 : memref<1x16x1024xf32, #tpu.memory_space<hbm>> -> memref<16x1024xf32, #tpu.memory_space<hbm>>
          tpu.wait_dma2 semaphore(%arg15 : memref<!tpu.dma_semaphore, #tpu.memory_space<semaphore_mem>>) src(%arg7 : memref<16x1024xf32, #tpu.memory_space<vmem>>) dst(%dma_wait3A_203 : memref<16x1024xf32, #tpu.memory_space<hbm>>)
        } else {
        }
        %add3A_185 = arith.constant 2 : i32
        %add3A_186 = arith.addi %add3A_158, %add3A_185 : i32
        %mul3A_187 = arith.constant 16 : i32
        %mul3A_188 = arith.muli %add3A_186, %mul3A_187 : i32
        %dma_start3A_189 = tpu.memref_slice %arg5[%mul3A_188] : memref<1024xi32, #tpu.memory_space<vmem>> -> memref<16xi32, #tpu.memory_space<vmem>>
        %dma_start3A_190 = arith.constant 0 : i32
        %dma_start3A_191 = arith.constant 0 : i32
        %dma_start3A_192 = tpu.memref_slice %arg2[%dma_start3A_190, %dma_start3A_191] : memref<8192x1024xf32, #tpu.memory_space<hbm>> -> memref<8192x1024xf32, #tpu.memory_space<hbm>>
        tpu.enqueue_indirect_dma source(%dma_start3A_192 : memref<8192x1024xf32, #tpu.memory_space<hbm>>) target(%arg7 : memref<16x1024xf32, #tpu.memory_space<vmem>>) offsets(%dma_start3A_189 : memref<16xi32, #tpu.memory_space<vmem>>) semaphore(%arg11 : memref<!tpu.dma_semaphore, #tpu.memory_space<semaphore_mem>>)
      } else {
      }
    }
    %scan3A_46 = arith.constant 16 : i32
    %add3A_47 = arith.constant 960 : i32
    %add3A_48 = arith.addi %mul3A_32, %add3A_47 : i32
    %dma_wait3A = arith.constant 0 : i32
    %dma_wait3A_49 = tpu.memref_slice %arg4[%select_n3A, %add3A_48, %dma_wait3A] : memref<4x8192x1024xf32, #tpu.memory_space<hbm>> -> memref<1x16x1024xf32, #tpu.memory_space<hbm>>
    %dma_wait3A_50 = tpu.memref_squeeze %dma_wait3A_49 : memref<1x16x1024xf32, #tpu.memory_space<hbm>> -> memref<16x1024xf32, #tpu.memory_space<hbm>>
    %dma_wait3A_51 = arith.constant 0 : i32
    %dma_wait3A_52 = tpu.memref_slice %arg4[%select_n3A, %add3A_48, %dma_wait3A_51] : memref<4x8192x1024xf32, #tpu.memory_space<hbm>> -> memref<1x16x1024xf32, #tpu.memory_space<hbm>>
    %dma_wait3A_53 = tpu.memref_squeeze %dma_wait3A_52 : memref<1x16x1024xf32, #tpu.memory_space<hbm>> -> memref<16x1024xf32, #tpu.memory_space<hbm>>
    tpu.wait_dma2 semaphore(%arg14 : memref<!tpu.dma_semaphore, #tpu.memory_space<semaphore_mem>>) src(%arg6 : memref<16x1024xf32, #tpu.memory_space<vmem>>) dst(%dma_wait3A_53 : memref<16x1024xf32, #tpu.memory_space<hbm>>)
    %add3A_54 = arith.constant 976 : i32
    %add3A_55 = arith.addi %mul3A_32, %add3A_54 : i32
    %dma_wait3A_56 = arith.constant 0 : i32
    %dma_wait3A_57 = tpu.memref_slice %arg4[%select_n3A, %add3A_55, %dma_wait3A_56] : memref<4x8192x1024xf32, #tpu.memory_space<hbm>> -> memref<1x16x1024xf32, #tpu.memory_space<hbm>>
    %dma_wait3A_58 = tpu.memref_squeeze %dma_wait3A_57 : memref<1x16x1024xf32, #tpu.memory_space<hbm>> -> memref<16x1024xf32, #tpu.memory_space<hbm>>
    %dma_wait3A_59 = arith.constant 0 : i32
    %dma_wait3A_60 = tpu.memref_slice %arg4[%select_n3A, %add3A_55, %dma_wait3A_59] : memref<4x8192x1024xf32, #tpu.memory_space<hbm>> -> memref<1x16x1024xf32, #tpu.memory_space<hbm>>
    %dma_wait3A_61 = tpu.memref_squeeze %dma_wait3A_60 : memref<1x16x1024xf32, #tpu.memory_space<hbm>> -> memref<16x1024xf32, #tpu.memory_space<hbm>>
    tpu.wait_dma2 semaphore(%arg15 : memref<!tpu.dma_semaphore, #tpu.memory_space<semaphore_mem>>) src(%arg7 : memref<16x1024xf32, #tpu.memory_space<vmem>>) dst(%dma_wait3A_61 : memref<16x1024xf32, #tpu.memory_space<hbm>>)
    %add3A_62 = arith.constant 992 : i32
    %add3A_63 = arith.addi %mul3A_32, %add3A_62 : i32
    %dma_wait3A_64 = arith.constant 0 : i32
    %dma_wait3A_65 = tpu.memref_slice %arg4[%select_n3A, %add3A_63, %dma_wait3A_64] : memref<4x8192x1024xf32, #tpu.memory_space<hbm>> -> memref<1x16x1024xf32, #tpu.memory_space<hbm>>
    %dma_wait3A_66 = tpu.memref_squeeze %dma_wait3A_65 : memref<1x16x1024xf32, #tpu.memory_space<hbm>> -> memref<16x1024xf32, #tpu.memory_space<hbm>>
    %dma_wait3A_67 = arith.constant 0 : i32
    %dma_wait3A_68 = tpu.memref_slice %arg4[%select_n3A, %add3A_63, %dma_wait3A_67] : memref<4x8192x1024xf32, #tpu.memory_space<hbm>> -> memref<1x16x1024xf32, #tpu.memory_space<hbm>>
    %dma_wait3A_69 = tpu.memref_squeeze %dma_wait3A_68 : memref<1x16x1024xf32, #tpu.memory_space<hbm>> -> memref<16x1024xf32, #tpu.memory_space<hbm>>
    tpu.wait_dma2 semaphore(%arg16 : memref<!tpu.dma_semaphore, #tpu.memory_space<semaphore_mem>>) src(%arg8 : memref<16x1024xf32, #tpu.memory_space<vmem>>) dst(%dma_wait3A_69 : memref<16x1024xf32, #tpu.memory_space<hbm>>)
    %add3A_70 = arith.constant 1008 : i32
    %add3A_71 = arith.addi %mul3A_32, %add3A_70 : i32
    %dma_wait3A_72 = arith.constant 0 : i32
    %dma_wait3A_73 = tpu.memref_slice %arg4[%select_n3A, %add3A_71, %dma_wait3A_72] : memref<4x8192x1024xf32, #tpu.memory_space<hbm>> -> memref<1x16x1024xf32, #tpu.memory_space<hbm>>
    %dma_wait3A_74 = tpu.memref_squeeze %dma_wait3A_73 : memref<1x16x1024xf32, #tpu.memory_space<hbm>> -> memref<16x1024xf32, #tpu.memory_space<hbm>>
    %dma_wait3A_75 = arith.constant 0 : i32
    %dma_wait3A_76 = tpu.memref_slice %arg4[%select_n3A, %add3A_71, %dma_wait3A_75] : memref<4x8192x1024xf32, #tpu.memory_space<hbm>> -> memref<1x16x1024xf32, #tpu.memory_space<hbm>>
    %dma_wait3A_77 = tpu.memref_squeeze %dma_wait3A_76 : memref<1x16x1024xf32, #tpu.memory_space<hbm>> -> memref<16x1024xf32, #tpu.memory_space<hbm>>
    tpu.wait_dma2 semaphore(%arg17 : memref<!tpu.dma_semaphore, #tpu.memory_space<semaphore_mem>>) src(%arg9 : memref<16x1024xf32, #tpu.memory_space<vmem>>) dst(%dma_wait3A_77 : memref<16x1024xf32, #tpu.memory_space<hbm>>)
    return
  }
}

</mosaic_0001>

<sc_bundles>
// kernel: _gather_call.3.cloned.1.call-start
scs
__scs_entry_jumppad:
0x0: {  	(pc) =	sbr.rel $0x88, $3  }
0x1: {  	(tag) =	ssettag $0x0;
	lr =	simm.s32 $0x1  }
0x2: {  	[smem:$0x3F9F] =	sst lr;
	_ =	strace $0xD0000000  }
0x3: {  	_ = 	snop  }
0x4: {  	_ = 	snop  }
0x5: {  	_ = 	snop  }
0x6: {  	_ = 	snop  }
0x7: {  	_ = 	snop  }
__scs_overlays_trampoline_lowered:
0x8: {  	[smem:$0x3FAE] =	sst s0  }
0x9: {  	[smem:$0x3FAF] =	sst s1  }
0xa: {  	[smem:$0x3FB0] =	sst s2  }
0xb: {  	[smem:$0x3FB1] =	sst s3  }
0xc: {  	[smem:$0x3FB2] =	sst s4  }
0xd: {  	[smem:$0x3FB3] =	sst s5  }
0xe: {  	[smem:$0x3FB4] =	sst s6  }
0xf: {  	[smem:$0x3FB5] =	sst s7  }
0x10: {  	[smem:$0x3FB6] =	sst s8  }
0x11: {  	[smem:$0x3FB7] =	sst s9;
	s0 =	simm.s32 @!p0 $0x0  }
0x12: {  	s1 =	sld [smem:$0x3F9D];
	s0 =	simm.s32 @p0 $0x1  }
0x13: {  	[smem:$0x3FB8] =	sst s0;
	s0 =	simm.s32 @!p1 $0x0  }
0x14: {  	s2 =	sld [smem:$0x3F9C];
	s0 =	simm.s32 @p1 $0x1  }
0x15: {  	[smem:$0x3FB9] =	sst s0;
	s0 =	simm.s32 @!p2 $0x0  }
0x16: {  	s3 =	sld [smem:$0x3FDB];
	s0 =	simm.s32 @p2 $0x1  }
0x17: {  	s4 =	simm.s32 $0x1BF5;
	[smem:$0x3FBB] =	sst s0  }
0x18: {  	s0 =	sld [smem:$0x3F9E];
	_ =	swait.ge [sflag:s4], $0x0  }
0x19: {  	s7 =	sld [smem:$0x3F9F]  }
0x1a: {  	s8 =	sadd.s32 $0xFFFFE003, lr  }
0x1b: {  	s9 =	sadd.s32 $0xFFFFFEF7, lr;
	s5 =	simm.s32 $0xFFFFFFFF;
	p2 =	slt.u32 s8, $0xFFFFF086  }
0x1c: {  	p1 =	slt.u32 s9, $0xF7A;
	s5 =	simm.s32 @!p2 $0x0  }
0x1d: {  	s5 =	simm.s32 @p1 $0x1;
	p0 =	seq.s32 s7, s2  }
0x1e: {  	s7 =	smul.u32 @!p0 $0xF7A, s2;
	p2 =	seq.s32 @!p0 s5, $0x0  }
0x1f: {  	s9 =	smul.u32 $0xF7A, s1;
	s8 =	simm.s32 @!p0 $0x1BF5;
	p2 =	por !p2, p0  }
0x20: {  	[sflag:s8] =	ssyncset.s32 @!p0 $0xFFFFF086;
	s6 =	sadd.s32 @!p0 s3, s7;
	s7 =	simm.s32 @!p0 $0x108  }
0x21: {  	s3 =	sadd.s32 s3, s9;
	s6 =	sadd.s32 @!p0 $0x88, s6;
	s7 =	simm.s32 @p2 $0x1082  }
0x22: {  	[simem:s7], [sflag:s8] =	dma.local @!p0 [hbm:s6], $0xF7A  }
0x23: {  	s9 =	sor.u32 $0xD0000000, s2;
	s6 =	simm.s32 $0x108;
	_ =	swait.ge @!p0 [sflag:s8], $0x0  }
0x24: {  	s3 =	sadd.s32 $0x88, s3;
	s6 =	simm.s32 @!p1 $0x1082;
	[sflag:s4] =	ssyncset.s32 $0xFFFFF086  }
0x25: {  	[simem:s6], [sflag:s4] =	dma.local [hbm:s3], $0xF7A  }
0x26: {  	[smem:$0x3F9F] =	sst s1;
	(tag) =	ssettag s2;
	_ =	strace s9  }
0x27: {  	s1 =	sld [smem:$0x3FAF]  }
0x28: {  	s2 =	sld [smem:$0x3FB0]  }
0x29: {  	s4 =	sld [smem:$0x3FB2]  }
0x2a: {  	p0 =	seq.s32 s5, $0x0;
	s5 =	sld [smem:$0x3FB3]  }
0x2b: {  	s6 =	sld [smem:$0x3FB4]  }
0x2c: {  	s7 =	sld [smem:$0x3FB5]  }
0x2d: {  	s3 =	simm.s32 $0x108;
	s8 =	sld [smem:$0x3FB6]  }
0x2e: {  	s3 =	simm.s32 @!p0 $0x1082;
	s9 =	sld [smem:$0x3FB7]  }
0x2f: {  	lr =	sadd.s32 s0, s3;
	s0 =	sld [smem:$0x3FAE]  }
0x30: {  	s3 =	sld [smem:$0x3FB1]  }
0x31: {  	[smem:$0x3FBA] =	sst s10  }
0x32: {  	s10 =	sld [smem:$0x3FB8];
	_ =	sdelay $0x3  }
0x33: {  	p0 =	seq.s32 s10, $0x1;
	s10 =	sld [smem:$0x3FBA];
	_ =	sdelay $0x3  }
0x34: {  	[smem:$0x3FBA] =	sst s10  }
0x35: {  	s10 =	sld [smem:$0x3FB9];
	_ =	sdelay $0x3  }
0x36: {  	p1 =	seq.s32 s10, $0x1;
	s10 =	sld [smem:$0x3FBA];
	_ =	sdelay $0x3  }
0x37: {  	[smem:$0x3FBA] =	sst s10  }
0x38: {  	s10 =	sld [smem:$0x3FBB]  }
0x39: {  	_ = 	snop;
	(pc) =	sbr.ind lr, $3  }
0x3a: {  	_ = 	snop  }
0x3b: {  	_ = 	snop  }
0x3c: {  	p2 =	seq.s32 s10, $0x1;
	s10 =	sld [smem:$0x3FBA]  }
0x3d: {  	_ =	shalt  }
0x3e: {  	_ =	shalt  }
0x3f: {  	_ =	shalt  }
0x40: {  	_ =	shalt  }
0x41: {  	_ =	shalt  }
0x42: {  	_ =	shalt  }
0x43: {  	_ =	shalt  }
0x44: {  	_ =	shalt  }
0x45: {  	_ =	shalt  }
0x46: {  	_ =	shalt  }
0x47: {  	_ =	shalt  }
0x48: {  	_ =	shalt  }
0x49: {  	_ =	shalt  }
0x4a: {  	_ =	shalt  }
0x4b: {  	_ =	shalt  }
0x4c: {  	_ =	shalt  }
0x4d: {  	_ =	shalt  }
0x4e: {  	_ =	shalt  }
0x4f: {  	_ =	shalt  }
0x50: {  	_ =	shalt  }
0x51: {  	_ =	shalt  }
0x52: {  	_ =	shalt  }
0x53: {  	_ =	shalt  }
0x54: {  	_ =	shalt  }
0x55: {  	_ =	shalt  }
0x56: {  	_ =	shalt  }
0x57: {  	_ =	shalt  }
0x58: {  	_ =	shalt  }
0x59: {  	_ =	shalt  }
0x5a: {  	_ =	shalt  }
0x5b: {  	_ =	shalt  }
0x5c: {  	_ =	shalt  }
0x5d: {  	_ =	shalt  }
0x5e: {  	_ =	shalt  }
0x5f: {  	_ =	shalt  }
0x60: {  	_ =	shalt  }
0x61: {  	_ =	shalt  }
0x62: {  	_ =	shalt  }
0x63: {  	_ =	shalt  }
0x64: {  	_ =	shalt  }
0x65: {  	_ =	shalt  }
0x66: {  	_ =	shalt  }
0x67: {  	_ =	shalt  }
0x68: {  	_ =	shalt  }
0x69: {  	_ =	shalt  }
0x6a: {  	_ =	shalt  }
0x6b: {  	_ =	shalt  }
0x6c: {  	_ =	shalt  }
0x6d: {  	_ =	shalt  }
0x6e: {  	_ =	shalt  }
0x6f: {  	_ =	shalt  }
0x70: {  	_ =	shalt  }
0x71: {  	_ =	shalt  }
0x72: {  	_ =	shalt  }
0x73: {  	_ =	shalt  }
0x74: {  	_ =	shalt  }
0x75: {  	_ =	shalt  }
0x76: {  	_ =	shalt  }
0x77: {  	_ =	shalt  }
0x78: {  	_ =	shalt  }
0x79: {  	_ =	shalt  }
0x7a: {  	_ =	shalt  }
0x7b: {  	_ =	shalt  }
0x7c: {  	_ =	shalt  }
0x7d: {  	_ =	shalt  }
0x7e: {  	_ =	shalt  }
0x7f: {  	_ =	shalt  }
0x80: {  	_ =	shalt  }
0x81: {  	_ =	shalt  }
0x82: {  	_ =	shalt  }
0x83: {  	_ =	shalt  }
0x84: {  	_ =	shalt  }
0x85: {  	_ =	shalt  }
0x86: {  	_ =	shalt  }
0x87: {  	_ =	shalt  }
.Lfunc_end0:
.L_simem_size_0:
called_computation_lowered:
.L_overlay_start_0:
0x88: {  	s2 =	sld [smem:$0x3FD9]  }
0x89: {  	s3 =	sld [smem:$0x3FFE];
	_ =	sdelay $0x1  }
0x8a: {  	s1 =	srdreg.scid  }
0x8b: {  	s0 =	sand.u32 $0x1, s1  }
0x8c: {  	s18 =	sshll.u32 s0, $0xA;
	s2 =	sadd.s32 s3, s2  }
0x8d: {  	s2 =	sadd.s32 s2, s18  }
0x8e: {  	[smem:$0x3FC6] =	sst s2  }
0x8f: {  	_ = 	snop  }
0x90: {  	s2 =	sld [smem:$0x3FC9]  }
0x91: {  	s19 =	sld [smem:$0x3FC8]  }
0x92: {  	s4 =	sld [smem:$0x3FD0];
	(tm) =	ssettm $0x1  }
0x93: {  	s5 =	sld [smem:$0x3FFB];
	_ =	sdelay $0x3  }
0x94: {  	_ =	strace s5  }
0x95: {  	s5 =	sld [smem:$0x3FFC];
	_ =	sdelay $0x3  }
0x96: {  	_ =	strace s5  }
0x97: {  	s5 =	sld [smem:$0x3FFD];
	_ =	sdelay $0x3  }
0x98: {  	_ =	strace s5  }
0x99: {  	_ =	strace $0x8FFFFFFF  }
0x9a: {  	s20 =	sld [smem:$0x3FDB];
	_ =	sdelay $0x1  }
0x9b: {  	s6 =	simm.s32 $_scs_section_size  }
0x9c: {  	s7 =	simm.s32 $_size__tile_overlayer_lowered;
	s8 =	simm.s32 $_tile_overlayer_lowered  }
0x9d: {  	s23 =	simm.s32 $0x1BFF;
	s22 =	sshll.u32 s8, $0x1;
	s5 =	sadd.s32 s6, s20  }
0x9e: {  	s9 =	simm.s32 $0x0;
	s21 =	sshll.u32 s7, $0x1;
	s7 =	sadd.s32 s22, s5  }
0x9f: {  	[timem:s9], [sflag:s23] =	dma.local [hbm:s7], s21  }
0xa0: {  	_ =	swait.ge [sflag:s23], s21  }
0xa1: {  	s6 =	ssub.s32 $0x0, s21;
	[sflag:s23] =	ssyncset.done $0x0  }
0xa2: {  	[sflag:s23] =	ssyncadd.s32 s6;
	_ =	sdelay $0x1  }
0xa3: {  	s24 =	simm.s32 $0x1B8B  }
0xa4: {  	_ =	swait.ge [sflag:s24], $0x1  }
0xa5: {  	[sflag:s24] =	ssyncset.done $0x0  }
0xa6: {  	s25 =	simm.s32 $0x1B8E;
	[sflag:s24] =	ssyncadd.s32 $0xFFFFFFFF  }
0xa7: {  	s26 =	simm.s32 $execute0_lowered;
	[smem:$0x3FD2] =	sst s25  }
0xa8: {  	s6 =	sshll.u32 s26, $0x1;
	_ =	strace $0x80000046;
	[dreg:$0x1] =	wrdreg $0xFFFFFFFF  }
0xa9: {  	s28 =	simm.s32 $_size_execute0_lowered;
	s5 =	sadd.s32 s5, s6;
	[dreg:$0x0] =	wrdreg $0x0  }
0xaa: {  	s6 =	sshll.u32 s28, $0x1;
	[dreg:$0x2] =	wrdreg s5  }
0xab: {  	[dreg:$0x3] =	wrdreg s6  }
0xac: {  	[dreg:$0x4] =	wrdreg $0xC0  }
0xad: {  	_ =	task [dreg:s9], $0x5FFFF  }
0xae: {  	[dreg:$0x1] =	wrdreg $0xFFFFFFFF  }
0xaf: {  	[dreg:$0x0] =	wrdreg $0x60  }
0xb0: {  	[dreg:$0x2] =	wrdreg s2  }
0xb1: {  	[dreg:$0x3] =	wrdreg s19  }
0xb2: {  	[dreg:$0x4] =	wrdreg s4  }
0xb3: {  	[dreg:$0x5] =	wrdreg $0x9  }
0xb4: {  	_ =	task.clear_ibuf [dreg:s9], $0x6FFFF;
	_ =	strace $0x90000046  }
0xb5: {  	s29 =	simm.s32 $0x9;
	_ =	strace $0x80000048  }
0xb6: {  	_ =	swait.ge [sflag:s29], $0x1  }
0xb7: {  	[sflag:s29] =	ssyncadd.s32 $0xFFFFFFFF  }
0xb8: {  	_ =	strace $0x90000048  }
0xb9: {  	_ =	sfence  }
0xba: {  	s30 =	sld [smem:$0x0];
	_ =	sdelay $0x2  }
0xbb: {  	s31 =	sshll.u32 s1, $0xD;
	s1 =	sshrl.u32 s1, $0x2  }
0xbc: {  	s3 =	sand.u32 $0x4000, s31;
	s1 =	sadd.s32 s1, s30  }
0xbd: {  	s0 =	sor.u32 s3, s0;
	s1 =	sshll.u32 s1, $0x11  }
0xbe: {  	s0 =	sor.u32 s1, s0  }
0xbf: {  	s0 =	sadd.s32 $0x8F2B, s0  }
0xc0: {  	[sflag:s0] =	ssyncadd.remote.s32 $0x1  }
0xc1: {  	_ =	sfence.sel $0xFFFF  }
0xc2: {  	[dreg:$0x0] =	wrdreg $0xFFFFFFFF;
	(pc) =	sbr.abs _section_cstart, $3  }
0xc3: {  	[dreg:$0x1] =	wrdreg $0xFFFFFFFF  }
0xc4: {  	_ =	task.clear_ibuf [dreg:s9], $0x2FFFF;
	_ =	strace $0x9FFFFFFF  }
0xc5: {  	(tm) =	ssettm $0x7FFFFFFF  }
tec
execute0_lowered:
.L_overlay_start_1:
0x0: {  	(tag) =	ssettag $0x1  }
0x1: {  	s1 =	rddreg [dreg:$0x0]  }
0x2: {  	s0 =	rddreg [dreg:$0x1]  }
0x3: {  	s2 =	rddreg [dreg:$0x2];
	s4 =	srdreg.scid  }
0x4: {  	s3 =	simm.s32 $0x0;
	s9 =	stileid.u32;
	s17 =	simm.s32 $0xA400  }
0x5: {  	s18 =	simm.s32 $0xAC00;
	s19 =	simm.s32 $0xB400;
	s20 =	simm.s32 $0xBC00  }
0x6: {  	s14 =	simm.s32 $0xDC00;
	s15 =	simm.s32 $0xE400;
	s28 =	simm.s32 $0x3  }
0x7: {  	s29 =	simm.s32 $0x4;
	s30 =	simm.s32 $0x6;
	s16 =	simm.s32 $0x0  }
0x8: {  	s4 =	sand.u32 $0x1, s4;
	[smem:$0x7FF] =	sst s3;
	s6 =	sshll.u32 s9, $0x1  }
0x9: {  	s21 =	sshrl.u32 s9, $0x2;
	s9 =	sand.u32 $0x3, s9;
	s5 =	ssub.s32 $0x2, s4  }
0xa: {  	_ =	strace $0x80000047;
	s6 =	sand.u32 $0x6, s6;
	s22 =	sshll.u32 s21, $0x4  }
0xb: {  	s23 =	sshll.u32 s9, $0x15;
	s7 =	sshrl.u32 s5, $0x1;
	s6 =	sor.u32 s4, s6  }
0xc: {  	s0 =	sadd.s32 s0, s22;
	s4 =	sshll.u32 s4, $0x14;
	s22 =	simm.s32 $0xC400  }
0xd: {  	s8 =	ssub.s32 s5, s7;
	s6 =	sshll.u32 s6, $0x9;
	s5 =	sshll.u32 s21, $0x17  }
0xe: {  	s7 =	sadd.s32 $0x300, s1;
	s21 =	simm.s32 $0x2;
	s0 =	sadd.s32 s6, s0  }
0xf: {  	s24 =	sor.u32 s23, s5;
	s5 =	sadd.s32 $0x100, s1;
	s6 =	sadd.s32 $0x200, s1  }
0x10: {  	s25 =	smax.u32 s8, $0x1;
	s23 =	simm.s32 $0x4400;
	[dreg:$0x4] =	wrdreg s0  }
0x11: {  	s8 =	simm.s32 $0xD400;
	s0 =	sor.u32 s4, s24;
	[dreg:$0x5] =	wrdreg s25  }
.Ltmp0:
0x12: {  	s24 =	simm.s32 $0xEC00;
	s25 =	simm.s32 $0xF400;
	(pc) =	sbr.rel .LBB2_1-.Ltmp0, $4  }
0x13: {  	s26 =	sor.u32 $0xC000, s0;
	s31 =	sshrl.u32 s0, $0x3;
	s0 =	sor.u32 $0x8000, s0  }
0x14: {  	v2 =	vlaneseq.u32;
	s4 =	sshrl.u32 s26, $0x3;
	s9 =	sadd.s32 s31, s2;
	s0 =	sshrl.u32 s0, $0x3  }
0x15: {  	vm0 =	vmmov $0xffff;
	v1 =	vshrl.u32 v2, $0x3;
	s26 =	simm.s32 $0xFC00;
	s10 =	sadd.s32 s4, s2;
	s11 =	sadd.s32 s0, s2  }
0x16: {  	v0 =	vand.u32 $0x7, v2;
	v2 =	vor.u32 $0x8, v2;
	v1 =	vmul.u32 $0x8, v1;
	s0 =	simm.s32 $0x1;
	s2 =	simm.s32 $0x8400;
	s4 =	simm.s32 $0xCC00  }
.LBB2_4:
0x17: {  	s12 =	simm.s32 $0x5  }
0x18: {  	_ =	swait.ge [sflag:s12], $0x4000  }
0x19: {  	[sflag:s12] =	ssyncset.done $0x0  }
0x1a: {  	[sflag:s12] =	ssyncadd.s32 $0xFFFFC000  }
0x1b: {  	_ =	swait.ge [sflag:s30], $0x4000  }
0x1c: {  	[sflag:s30] =	ssyncset.done $0x0  }
0x1d: {  	s16 =	simm.s32 $0x7;
	[sflag:s30] =	ssyncadd.s32 $0xFFFFC000  }
0x1e: {  	_ =	swait.ge [sflag:s16], $0x4000  }
0x1f: {  	[sflag:s16] =	ssyncset.done $0x0  }
0x20: {  	s13 =	simm.s32 $0x8;
	[sflag:s16] =	ssyncadd.s32 $0xFFFFC000  }
0x21: {  	_ =	swait.ge [sflag:s13], $0x4000  }
0x22: {  	s16 =	rddreg [dreg:$0x6]  }
0x23: {  	s31 =	rddreg [dreg:$0x5];
	s16 =	sadd.s32 $0x1, s16  }
0x24: {  	p0 =	sne.s32 s16, s31  }
.Ltmp1:
0x25: {  	_ = 	snop;
	(pc) =	sbr.rel @!p0 .LBB2_5-.Ltmp1, $3  }
0x26: {  	_ =	sdelay $0x1  }
0x27: {  	[sflag:s13] =	ssyncset.done $0x0  }
0x28: {  	[sflag:s13] =	ssyncadd.s32 $0xFFFFC000  }
.LBB2_1:
0x29: {  	[dreg:$0x6] =	wrdreg s16  }
0x2a: {  	s12 =	rddreg [dreg:$0x4];
	s13 =	simm.s32 $0x80;
	s16 =	simm.s32 $0x200  }
0x2b: {  	[tilespmem:s3], [sflag:$0x9] =	stream.strided.gather [hbm4b:s12+s13], $0x400, s16, s13, $0x38;
	[tilespmem:$0x10400] =	vst v63  }
0x2c: {  	s13 =	simm.s32 $0x9  }
0x2d: {  	_ =	swait.ge [sflag:s13], $0x400  }
0x2e: {  	[sflag:s13] =	ssyncset.done $0x0  }
0x2f: {  	[sflag:s13] =	ssyncadd.s32 $0xFFFFFC00  }
0x30: {  	v3 =	vld [tilespmem:$0x0];
	_ =	sdelay $0x4  }
0x31: {  	v4 =	vshll.u32 v3, $0x3  }
0x32: {  	v3 =	vand.u32 $0x7, v3;
	v4 =	vand.u32 $0xFFFFFFC0, v4  }
0x33: {  	v3 =	vor.u32 v3, v4  }
0x34: {  	v4 =	vperm.xlane v3, v0;
	_ =	sdelay $0x1  }
0x35: {  	v4 =	vadd.s32 v1, v4;
	_ =	sdelay $0x3  }
0x36: {  	s16 =	simm.s32 $0x400  }
0x37: {  	[tilespmem:s16], [sflag:$0x1] =	stream.indirect_vreg.gather [hbm4b:s1+s3], $0x80, v4, vm0, $0xb8;
	[tilespmem:$0x10400] =	vst v63  }
0x38: {  	s13 =	simm.s32 $0xC00;
	v3 =	vperm.xlane v3, v2  }
0x39: {  	[tilespmem:s13], [sflag:$0x1] =	stream.indirect_vreg.gather [hbm4b:s5+s3], $0x80, v4, vm0, $0xb8;
	[tilespmem:$0x10400] =	vst v63  }
0x3a: {  	v3 =	vadd.s32 v1, v3;
	s16 =	simm.s32 $0x1400  }
0x3b: {  	[tilespmem:s16], [sflag:$0x1] =	stream.indirect_vreg.gather [hbm4b:s6+s3], $0x80, v4, vm0, $0xb8;
	[tilespmem:$0x10400] =	vst v63  }
0x3c: {  	s13 =	simm.s32 $0x1C00  }
0x3d: {  	[tilespmem:s13], [sflag:$0x1] =	stream.indirect_vreg.gather [hbm4b:s7+s3], $0x80, v4, vm0, $0xb8;
	[tilespmem:$0x10400] =	vst v63  }
0x3e: {  	s16 =	simm.s32 $0x2400  }
0x3f: {  	[tilespmem:s16], [sflag:$0x1] =	stream.indirect_vreg.gather [hbm4b:s1+s3], $0x80, v3, vm0, $0xb8;
	[tilespmem:$0x10400] =	vst v63  }
0x40: {  	s13 =	simm.s32 $0x2C00  }
0x41: {  	[tilespmem:s13], [sflag:$0x1] =	stream.indirect_vreg.gather [hbm4b:s5+s3], $0x80, v3, vm0, $0xb8;
	[tilespmem:$0x10400] =	vst v63  }
0x42: {  	s16 =	simm.s32 $0x3400  }
0x43: {  	[tilespmem:s16], [sflag:$0x1] =	stream.indirect_vreg.gather [hbm4b:s6+s3], $0x80, v3, vm0, $0xb8;
	[tilespmem:$0x10400] =	vst v63  }
0x44: {  	s13 =	simm.s32 $0x3C00  }
0x45: {  	[tilespmem:s13], [sflag:$0x1] =	stream.indirect_vreg.gather [hbm4b:s7+s3], $0x80, v3, vm0, $0xb8;
	[tilespmem:$0x10400] =	vst v63  }
0x46: {  	v3 =	vld [tilespmem:$0x10];
	_ =	sdelay $0x4  }
0x47: {  	v63 =	vshll.u32 v3, $0x3  }
0x48: {  	v3 =	vand.u32 $0x7, v3;
	v4 =	vand.u32 $0xFFFFFFC0, v63  }
0x49: {  	v3 =	vor.u32 v3, v4  }
0x4a: {  	v4 =	vperm.xlane v3, v0;
	_ =	sdelay $0x1  }
0x4b: {  	v4 =	vadd.s32 v1, v4;
	_ =	sdelay $0x4  }
0x4c: {  	[tilespmem:s23], [sflag:$0x2] =	stream.indirect_vreg.gather [hbm4b:s1+s3], $0x80, v4, vm0, $0xb8;
	[tilespmem:$0x10400] =	vst v63  }
0x4d: {  	s16 =	simm.s32 $0x4C00;
	v3 =	vperm.xlane v3, v2  }
0x4e: {  	[tilespmem:s16], [sflag:$0x2] =	stream.indirect_vreg.gather [hbm4b:s5+s3], $0x80, v4, vm0, $0xb8;
	[tilespmem:$0x10400] =	vst v63  }
0x4f: {  	s13 =	simm.s32 $0x5400;
	v3 =	vadd.s32 v1, v3  }
0x50: {  	[tilespmem:s13], [sflag:$0x2] =	stream.indirect_vreg.gather [hbm4b:s6+s3], $0x80, v4, vm0, $0xb8;
	[tilespmem:$0x10400] =	vst v63  }
0x51: {  	s16 =	simm.s32 $0x5C00  }
0x52: {  	[tilespmem:s16], [sflag:$0x2] =	stream.indirect_vreg.gather [hbm4b:s7+s3], $0x80, v4, vm0, $0xb8;
	[tilespmem:$0x10400] =	vst v63  }
0x53: {  	s13 =	simm.s32 $0x6400  }
0x54: {  	[tilespmem:s13], [sflag:$0x2] =	stream.indirect_vreg.gather [hbm4b:s1+s3], $0x80, v3, vm0, $0xb8;
	[tilespmem:$0x10400] =	vst v63  }
0x55: {  	s16 =	simm.s32 $0x6C00  }
0x56: {  	[tilespmem:s16], [sflag:$0x2] =	stream.indirect_vreg.gather [hbm4b:s5+s3], $0x80, v3, vm0, $0xb8;
	[tilespmem:$0x10400] =	vst v63  }
0x57: {  	s13 =	simm.s32 $0x7400  }
0x58: {  	[tilespmem:s13], [sflag:$0x2] =	stream.indirect_vreg.gather [hbm4b:s6+s3], $0x80, v3, vm0, $0xb8;
	[tilespmem:$0x10400] =	vst v63  }
0x59: {  	s31 =	simm.s32 $0x30;
	s12 =	simm.s32 $0x0;
	s16 =	simm.s32 $0x7C00  }
0x5a: {  	[tilespmem:s16], [sflag:$0x2] =	stream.indirect_vreg.gather [hbm4b:s7+s3], $0x80, v3, vm0, $0xb8;
	[tilespmem:$0x10400] =	vst v63  }
.LBB2_2:
0x5b: {  	_ =	swait.ge [sflag:s0], $0x4000  }
0x5c: {  	s13 =	sadd.s32 s12, s9;
	[sflag:s0] =	ssyncset.done $0x0  }
0x5d: {  	s16 =	simm.s32 $0x400;
	p0 =	seq.s32 s12, $0x0;
	[sflag:s0] =	ssyncadd.s32 $0xFFFFC000  }
0x5e: {  	[hbm4b:s13+s3] =	stream.linear.scatter [tilespmem:s16], [sflag:$0x5], $0x4000, $0x38;
	[tilespmem:$0x10400] =	vst v63  }
0x5f: {  	s16 =	simm.s32 @!p0 $0x7  }
0x60: {  	_ =	swait.ge @!p0 [sflag:s16], $0x4000  }
0x61: {  	[sflag:s16] =	ssyncset.done @!p0 $0x0  }
0x62: {  	[sflag:s16] =	ssyncadd.s32 @!p0 $0xFFFFC000  }
0x63: {  	v3 =	vld [tilespmem:s31+$0xFFFFFFF0];
	_ =	sdelay $0x4  }
0x64: {  	v4 =	vshll.u32 v3, $0x3  }
0x65: {  	v3 =	vand.u32 $0x7, v3;
	v4 =	vand.u32 $0xFFFFFFC0, v4  }
0x66: {  	v3 =	vor.u32 v3, v4  }
0x67: {  	v4 =	vperm.xlane v3, v0;
	_ =	sdelay $0x1  }
0x68: {  	v4 =	vadd.s32 v1, v4;
	_ =	sdelay $0x4  }
0x69: {  	[tilespmem:s2], [sflag:$0x3] =	stream.indirect_vreg.gather [hbm4b:s1+s3], $0x80, v4, vm0, $0xb8;
	[tilespmem:$0x10400] =	vst v63  }
0x6a: {  	s16 =	simm.s32 $0x8C00;
	v3 =	vperm.xlane v3, v2  }
0x6b: {  	[tilespmem:s16], [sflag:$0x3] =	stream.indirect_vreg.gather [hbm4b:s5+s3], $0x80, v4, vm0, $0xb8;
	[tilespmem:$0x10400] =	vst v63  }
0x6c: {  	v3 =	vadd.s32 v1, v3;
	s16 =	simm.s32 $0x9400  }
0x6d: {  	[tilespmem:s16], [sflag:$0x3] =	stream.indirect_vreg.gather [hbm4b:s6+s3], $0x80, v4, vm0, $0xb8;
	[tilespmem:$0x10400] =	vst v63  }
0x6e: {  	s16 =	simm.s32 $0x9C00  }
0x6f: {  	[tilespmem:s16], [sflag:$0x3] =	stream.indirect_vreg.gather [hbm4b:s7+s3], $0x80, v4, vm0, $0xb8;
	[tilespmem:$0x10400] =	vst v63  }
0x70: {  	_ = 	snop  }
0x71: {  	[tilespmem:s17], [sflag:$0x3] =	stream.indirect_vreg.gather [hbm4b:s1+s3], $0x80, v3, vm0, $0xb8;
	[tilespmem:$0x10400] =	vst v63  }
0x72: {  	_ = 	snop  }
0x73: {  	[tilespmem:s18], [sflag:$0x3] =	stream.indirect_vreg.gather [hbm4b:s5+s3], $0x80, v3, vm0, $0xb8;
	[tilespmem:$0x10400] =	vst v63  }
0x74: {  	_ = 	snop  }
0x75: {  	[tilespmem:s19], [sflag:$0x3] =	stream.indirect_vreg.gather [hbm4b:s6+s3], $0x80, v3, vm0, $0xb8;
	[tilespmem:$0x10400] =	vst v63  }
0x76: {  	_ = 	snop  }
0x77: {  	[tilespmem:s20], [sflag:$0x3] =	stream.indirect_vreg.gather [hbm4b:s7+s3], $0x80, v3, vm0, $0xb8;
	[tilespmem:$0x10400] =	vst v63  }
0x78: {  	_ =	swait.ge [sflag:s21], $0x4000  }
0x79: {  	[sflag:s21] =	ssyncset.done $0x0  }
0x7a: {  	s13 =	sadd.s32 $0x800, s13;
	[sflag:s21] =	ssyncadd.s32 $0xFFFFC000  }
0x7b: {  	[hbm4b:s13+s3] =	stream.linear.scatter [tilespmem:s23], [sflag:$0x6], $0x4000, $0x38;
	[tilespmem:$0x10400] =	vst v63  }
0x7c: {  	s13 =	simm.s32 @!p0 $0x8  }
0x7d: {  	_ =	swait.ge @!p0 [sflag:s13], $0x4000  }
0x7e: {  	[sflag:s13] =	ssyncset.done @!p0 $0x0  }
0x7f: {  	[sflag:s13] =	ssyncadd.s32 @!p0 $0xFFFFC000  }
0x80: {  	v3 =	vld [tilespmem:s31+$0x0];
	_ =	sdelay $0x4  }
0x81: {  	v63 =	vshll.u32 v3, $0x3  }
0x82: {  	v3 =	vand.u32 $0x7, v3;
	v4 =	vand.u32 $0xFFFFFFC0, v63  }
0x83: {  	v3 =	vor.u32 v3, v4  }
0x84: {  	v4 =	vperm.xlane v3, v0;
	_ =	sdelay $0x1  }
0x85: {  	v4 =	vadd.s32 v1, v4;
	_ =	sdelay $0x4  }
0x86: {  	[tilespmem:s22], [sflag:$0x4] =	stream.indirect_vreg.gather [hbm4b:s1+s3], $0x80, v4, vm0, $0xb8;
	[tilespmem:$0x10400] =	vst v63  }
0x87: {  	v3 =	vperm.xlane v3, v2  }
0x88: {  	[tilespmem:s4], [sflag:$0x4] =	stream.indirect_vreg.gather [hbm4b:s5+s3], $0x80, v4, vm0, $0xb8;
	[tilespmem:$0x10400] =	vst v63  }
0x89: {  	v3 =	vadd.s32 v1, v3  }
0x8a: {  	[tilespmem:s8], [sflag:$0x4] =	stream.indirect_vreg.gather [hbm4b:s6+s3], $0x80, v4, vm0, $0xb8;
	[tilespmem:$0x10400] =	vst v63  }
0x8b: {  	_ = 	snop  }
0x8c: {  	[tilespmem:s14], [sflag:$0x4] =	stream.indirect_vreg.gather [hbm4b:s7+s3], $0x80, v4, vm0, $0xb8;
	[tilespmem:$0x10400] =	vst v63  }
0x8d: {  	_ = 	snop  }
0x8e: {  	[tilespmem:s15], [sflag:$0x4] =	stream.indirect_vreg.gather [hbm4b:s1+s3], $0x80, v3, vm0, $0xb8;
	[tilespmem:$0x10400] =	vst v63  }
0x8f: {  	_ = 	snop  }
0x90: {  	[tilespmem:s24], [sflag:$0x4] =	stream.indirect_vreg.gather [hbm4b:s5+s3], $0x80, v3, vm0, $0xb8;
	[tilespmem:$0x10400] =	vst v63  }
0x91: {  	_ = 	snop  }
0x92: {  	[tilespmem:s25], [sflag:$0x4] =	stream.indirect_vreg.gather [hbm4b:s6+s3], $0x80, v3, vm0, $0xb8;
	[tilespmem:$0x10400] =	vst v63  }
0x93: {  	_ = 	snop  }
0x94: {  	[tilespmem:s26], [sflag:$0x4] =	stream.indirect_vreg.gather [hbm4b:s7+s3], $0x80, v3, vm0, $0xb8;
	[tilespmem:$0x10400] =	vst v63  }
0x95: {  	_ =	swait.ge [sflag:s28], $0x4000  }
0x96: {  	p0 =	seq.s32 s12, $0x1E000;
	[sflag:s28] =	ssyncset.done $0x0  }
0x97: {  	s16 =	sadd.s32 s12, s11;
	s13 =	simm.s32 @!p0 $0x5;
	[sflag:s28] =	ssyncadd.s32 $0xFFFFC000  }
0x98: {  	[hbm4b:s16+s3] =	stream.linear.scatter [tilespmem:s2], [sflag:$0x7], $0x4000, $0x38;
	[tilespmem:$0x10400] =	vst v63  }
0x99: {  	_ =	swait.ge @!p0 [sflag:s13], $0x4000  }
0x9a: {  	[sflag:s13] =	ssyncset.done @!p0 $0x0  }
0x9b: {  	[sflag:s13] =	ssyncadd.s32 @!p0 $0xFFFFC000  }
0x9c: {  	v3 =	vld @!p0 [tilespmem:s31+$0x10];
	_ =	sdelay $0x4  }
0x9d: {  	v4 =	vshll.u32 @!p0 v3, $0x3  }
0x9e: {  	v5 =	vlaneseq.u32 @!p0;
	v3 =	vand.u32 @!p0 $0x7, v3;
	v4 =	vand.u32 @!p0 $0xFFFFFFC0, v4  }
0x9f: {  	v6 =	vshrl.u32 @!p0 v5, $0x3;
	v3 =	vor.u32 @!p0 v3, v4;
	v4 =	vand.u32 @!p0 $0x7, v5  }
0xa0: {  	v6 =	vmul.u32 @!p0 $0x8, v6;
	v4 =	vperm.xlane @!p0 v3, v4;
	_ =	sdelay $0x1  }
0xa1: {  	v4 =	vadd.s32 @!p0 v6, v4;
	_ =	sdelay $0x3  }
0xa2: {  	vm1 =	vmmov @!p0 $0xffff;
	s16 =	simm.s32 @!p0 $0x400;
	s13 =	simm.s32 @!p0 $0x0  }
0xa3: {  	v5 =	vor.u32 @!p0 $0x8, v5;
	[tilespmem:s16], [sflag:$0x1] =	stream.indirect_vreg.gather @!p0 [hbm4b:s1+s13], $0x80, v4, vm1, $0xb8;
	[tilespmem:$0x10400] =	vst v63  }
0xa4: {  	v3 =	vperm.xlane @!p0 v3, v5;
	s16 =	simm.s32 @!p0 $0xC00  }
0xa5: {  	[tilespmem:s16], [sflag:$0x1] =	stream.indirect_vreg.gather @!p0 [hbm4b:s5+s13], $0x80, v4, vm1, $0xb8;
	[tilespmem:$0x10400] =	vst v63  }
0xa6: {  	v3 =	vadd.s32 @!p0 v6, v3;
	s16 =	simm.s32 @!p0 $0x1400  }
0xa7: {  	[tilespmem:s16], [sflag:$0x1] =	stream.indirect_vreg.gather @!p0 [hbm4b:s6+s13], $0x80, v4, vm1, $0xb8;
	[tilespmem:$0x10400] =	vst v63  }
0xa8: {  	s16 =	simm.s32 @!p0 $0x1C00  }
0xa9: {  	[tilespmem:s16], [sflag:$0x1] =	stream.indirect_vreg.gather @!p0 [hbm4b:s7+s13], $0x80, v4, vm1, $0xb8;
	[tilespmem:$0x10400] =	vst v63  }
0xaa: {  	s16 =	simm.s32 @!p0 $0x2400  }
0xab: {  	[tilespmem:s16], [sflag:$0x1] =	stream.indirect_vreg.gather @!p0 [hbm4b:s1+s13], $0x80, v3, vm1, $0xb8;
	[tilespmem:$0x10400] =	vst v63  }
0xac: {  	s16 =	simm.s32 @!p0 $0x2C00  }
0xad: {  	[tilespmem:s16], [sflag:$0x1] =	stream.indirect_vreg.gather @!p0 [hbm4b:s5+s13], $0x80, v3, vm1, $0xb8;
	[tilespmem:$0x10400] =	vst v63  }
0xae: {  	s16 =	simm.s32 @!p0 $0x3400  }
0xaf: {  	[tilespmem:s16], [sflag:$0x1] =	stream.indirect_vreg.gather @!p0 [hbm4b:s6+s13], $0x80, v3, vm1, $0xb8;
	[tilespmem:$0x10400] =	vst v63  }
0xb0: {  	s16 =	simm.s32 @!p0 $0x3C00  }
0xb1: {  	[tilespmem:s16], [sflag:$0x1] =	stream.indirect_vreg.gather @!p0 [hbm4b:s7+s13], $0x80, v3, vm1, $0xb8;
	[tilespmem:$0x10400] =	vst v63  }
.Ltmp2:
0xb2: {  	_ = 	snop;
	(pc) =	sbr.rel @p0 .LBB2_4-.Ltmp2, $4  }
0xb3: {  	_ =	swait.ge [sflag:s29], $0x4000  }
0xb4: {  	[sflag:s29] =	ssyncset.done $0x0  }
0xb5: {  	s16 =	sadd.s32 s12, s10;
	[sflag:s29] =	ssyncadd.s32 $0xFFFFC000  }
0xb6: {  	[hbm4b:s16+s3] =	stream.linear.scatter [tilespmem:s22], [sflag:$0x8], $0x4000, $0x38;
	[tilespmem:$0x10400] =	vst v63  }
0xb7: {  	_ =	swait.ge [sflag:s30], $0x4000  }
0xb8: {  	[sflag:s30] =	ssyncset.done $0x0  }
0xb9: {  	[sflag:s30] =	ssyncadd.s32 $0xFFFFC000  }
0xba: {  	v3 =	vld [tilespmem:s31+$0x20];
	_ =	sdelay $0x4  }
0xbb: {  	v4 =	vshll.u32 v3, $0x3  }
0xbc: {  	v3 =	vand.u32 $0x7, v3;
	v4 =	vand.u32 $0xFFFFFFC0, v4  }
0xbd: {  	v3 =	vor.u32 v3, v4  }
0xbe: {  	v4 =	vperm.xlane v3, v0;
	_ =	sdelay $0x1  }
0xbf: {  	v4 =	vadd.s32 v1, v4;
	_ =	sdelay $0x4  }
0xc0: {  	[tilespmem:s23], [sflag:$0x2] =	stream.indirect_vreg.gather [hbm4b:s1+s3], $0x80, v4, vm0, $0xb8;
	[tilespmem:$0x10400] =	vst v63  }
0xc1: {  	s13 =	simm.s32 $0x4C00;
	v3 =	vperm.xlane v3, v2  }
0xc2: {  	[tilespmem:s13], [sflag:$0x2] =	stream.indirect_vreg.gather [hbm4b:s5+s3], $0x80, v4, vm0, $0xb8;
	[tilespmem:$0x10400] =	vst v63  }
0xc3: {  	s16 =	simm.s32 $0x5400;
	v3 =	vadd.s32 v1, v3  }
0xc4: {  	[tilespmem:s16], [sflag:$0x2] =	stream.indirect_vreg.gather [hbm4b:s6+s3], $0x80, v4, vm0, $0xb8;
	[tilespmem:$0x10400] =	vst v63  }
0xc5: {  	s16 =	simm.s32 $0x5C00  }
0xc6: {  	[tilespmem:s16], [sflag:$0x2] =	stream.indirect_vreg.gather [hbm4b:s7+s3], $0x80, v4, vm0, $0xb8;
	[tilespmem:$0x10400] =	vst v63  }
0xc7: {  	s16 =	simm.s32 $0x6400  }
0xc8: {  	[tilespmem:s16], [sflag:$0x2] =	stream.indirect_vreg.gather [hbm4b:s1+s3], $0x80, v3, vm0, $0xb8;
	[tilespmem:$0x10400] =	vst v63  }
0xc9: {  	s16 =	simm.s32 $0x6C00  }
0xca: {  	[tilespmem:s16], [sflag:$0x2] =	stream.indirect_vreg.gather [hbm4b:s5+s3], $0x80, v3, vm0, $0xb8;
	[tilespmem:$0x10400] =	vst v63  }
.Ltmp3:
0xcb: {  	_ = 	snop;
	(pc) =	sbr.rel .LBB2_2-.Ltmp3, $4  }
0xcc: {  	s16 =	simm.s32 $0x7400  }
0xcd: {  	[tilespmem:s16], [sflag:$0x2] =	stream.indirect_vreg.gather [hbm4b:s6+s3], $0x80, v3, vm0, $0xb8;
	[tilespmem:$0x10400] =	vst v63  }
0xce: {  	s12 =	sadd.s32 $0x2000, s12;
	s31 =	sadd.s32 $0x40, s31;
	s16 =	simm.s32 $0x7C00  }
0xcf: {  	[tilespmem:s16], [sflag:$0x2] =	stream.indirect_vreg.gather [hbm4b:s7+s3], $0x80, v3, vm0, $0xb8;
	[tilespmem:$0x10400] =	vst v63  }
.LBB2_5:
0xd0: {  	_ =	sfence.sel $0x180000  }
0xd1: {  	[bflag:$0x0] =	sbarrier.arrive $0xFFFF  }
0xd2: {  	_ =	strace $0x90000047  }
0xd3: {  	s0 =	stileid.u32;
	[bflag:$0x2] =	sbarrier.arrive $0xFFFF  }
0xd4: {  	p0 =	sne.s32 s0, $0x0;
	s0 =	rddreg [dreg:$0x3]  }
0xd5: {  	s0 =	sadd.s32 @!p0 $0x100000, s0  }
0xd6: {  	[sflag:s0] =	ssyncadd.tile.s32 @!p0 $0x1;
	_ =	shalt  }
.Lfunc_end2:
_tile_overlayer_lowered:
.L_overlay_start_2:
0xd7: {  	(tag) =	ssettag $0x2  }
0xd8: {  	s0 =	rddreg [dreg:$0x0];
	s2 =	stileid.u32  }
0xd9: {  	s1 =	rddreg [dreg:$0x1];
	p0 =	sne.s32 s2, $0x0  }
0xda: {  	s3 =	rddreg [dreg:$0x2];
	[bflag:$0x3] =	sbarrier.arrive $0xFFFF;
	s2 =	simm.s32 @!p0 $0x1C09  }
0xdb: {  	[timem:s3], [sflag:s2] =	dma.local @!p0 [hbm:s0], s1  }
0xdc: {  	s0 =	simm.s32 @!p0 $0x9  }
0xdd: {  	_ =	swait.ge @!p0 [sflag:s0], s1  }
0xde: {  	s1 =	ssub.s32 @!p0 $0x0, s1;
	[sflag:s0] =	ssyncset.done @!p0 $0x0  }
0xdf: {  	[sflag:s0] =	ssyncadd.s32 @!p0 s1  }
0xe0: {  	[bflag:$0x3] =	sbarrier.arrive $0xFFFF  }
0xe1: {  	_ =	shalt  }

</sc_bundles>
